<compile_context>
chip_gen: v7x
topology: tpu7x:2x2x1
jax: 0.10.2.dev20260603
libtpu: 0.0.44.dev20260713+nightly
codegen_flags: <defaults>
</compile_context>

<pallas_src>
import functools

import jax
import jax.numpy as jnp
from jax import lax
from jax.experimental import pallas as pl
from jax.experimental.pallas import tpu as pltpu
from jax.experimental.pallas import tpu_sc as plsc

_H_UPPER = 10.0
_B = 128
_N = 32768
_BN = 4096
_NB = _N // _BN


def _main_body(h_ref, hm_ref, hv_ref,
               out_ref, mnew_ref, cidx_ref, fidx_ref,
               mnew_s, vnew_s, colneg_s, svar, rmax, ridx):
    p = pl.program_id(0)
    j = pl.program_id(1)
    ds = pl.ds(j * _BN, _BN)

    @pl.when(p == 0)
    def _phase0():
        xb = h_ref[...]
        out_ref[...] = xb
        ones = jnp.full((1, _B), 1.0 / _B, jnp.float32)
        mu = jnp.dot(ones, xb, preferred_element_type=jnp.float32)
        msq = jnp.dot(ones, xb * xb, preferred_element_type=jnp.float32)
        var = msq - mu * mu
        hm = hm_ref[...]
        hv = hv_ref[...]
        mn = (hm * _H_UPPER + mu) / (_H_UPPER + 1.0)
        vn = (hv * (_H_UPPER - 1.0 / _B) + var
              + (mu - hm) ** 2 / (1.0 + 1.0 / _H_UPPER)) \
            / (_H_UPPER + 1.0 - 1.0 / _B)
        mnew_s[:, ds] = mn
        vnew_s[:, ds] = vn
        mnew_ref[...] = mn

        @pl.when(j == 0)
        def _():
            svar[0, 0] = 0.0
            colneg_s[...] = -lax.broadcasted_iota(
                jnp.int32, (1, _BN), 1).astype(jnp.float32)
        svar[0, 0] += jnp.sum(vn)

    @pl.when(p == 1)
    def _phase1():
        xb = h_ref[...]
        mb = mnew_s[:, ds]
        vb = vnew_s[:, ds]
        c = svar[0, 0] / (float(_N) * 100.0)
        rinv = 1.0 / (vb + c)
        d = xb - mb
        score = d * d * rinv
        bmax = jnp.max(score, axis=1, keepdims=True)
        cn = colneg_s[...] - (j * _BN).astype(jnp.float32)
        cand = jnp.where(score == bmax, cn, -jnp.inf)
        barg = jnp.max(cand, axis=1, keepdims=True)

        @pl.when(j == 0)
        def _():
            rmax[...] = bmax
            ridx[...] = barg

        @pl.when(j != 0)
        def _():
            better = bmax > rmax[...]
            rmax[...] = jnp.where(better, bmax, rmax[...])
            ridx[...] = jnp.where(better, barg, ridx[...])

        @pl.when(j == _NB - 1)
        def _():
            coli = (-ridx[...]).astype(jnp.int32)
            cidx_ref[...] = coli
            fidx_ref[...] = coli + lax.broadcasted_iota(
                jnp.int32, (_B, 1), 0) * _N


def _build_main(interpret):
    return pl.pallas_call(
        _main_body,
        grid=(2, _NB),
        in_specs=[
            pl.BlockSpec((_B, _BN), lambda p, j: (0, j)),
            pl.BlockSpec((1, _BN), lambda p, j: (0, jnp.where(p == 0, j, _NB - 1))),
            pl.BlockSpec((1, _BN), lambda p, j: (0, jnp.where(p == 0, j, _NB - 1))),
        ],
        out_specs=[
            pl.BlockSpec((_B, _BN), lambda p, j: (0, jnp.where(p == 0, j, _NB - 1))),
            pl.BlockSpec((1, _BN), lambda p, j: (0, jnp.where(p == 0, j, _NB - 1))),
            pl.BlockSpec((_B, 1), lambda p, j: (0, 0)),
            pl.BlockSpec((_B, 1), lambda p, j: (0, 0)),
        ],
        out_shape=[
            jax.ShapeDtypeStruct((_B, _N), jnp.float32),
            jax.ShapeDtypeStruct((1, _N), jnp.float32),
            jax.ShapeDtypeStruct((_B, 1), jnp.int32),
            jax.ShapeDtypeStruct((_B, 1), jnp.int32),
        ],
        scratch_shapes=[
            pltpu.VMEM((1, _N), jnp.float32),
            pltpu.VMEM((1, _N), jnp.float32),
            pltpu.VMEM((1, _BN), jnp.float32),
            pltpu.SMEM((1, 1), jnp.float32),
            pltpu.VMEM((_B, 1), jnp.float32),
            pltpu.VMEM((_B, 1), jnp.float32),
        ],
        compiler_params=pltpu.CompilerParams(
            dimension_semantics=("arbitrary", "arbitrary"),
        ),
        interpret=interpret,
    )


_NWORK = _B // 16


@functools.lru_cache(maxsize=None)
def _get_sc_fixup():
    mesh = plsc.VectorSubcoreMesh(core_axis_name="c", subcore_axis_name="s")

    @functools.partial(
        pl.kernel,
        out_type=(),
        mesh=mesh,
        scratch_types=[
            pltpu.VMEM((16,), jnp.int32),
            pltpu.VMEM((16,), jnp.int32),
            pltpu.VMEM((16,), jnp.float32),
            pltpu.SemaphoreType.DMA,
            pltpu.SemaphoreType.DMA,
        ],
    )
    def _sc_fixup(out_flat, mnew_flat, cidx_flat, fidx_flat,
                  civ, fiv, valv, sem1, sem2):
        cid = lax.axis_index("c")
        sid = lax.axis_index("s")
        w = sid * 2 + cid

        @pl.when(w < _NWORK)
        def _():
            base = w * 16
            pltpu.sync_copy(cidx_flat.at[pl.ds(base, 16)], civ)
            pltpu.sync_copy(fidx_flat.at[pl.ds(base, 16)], fiv)
            pltpu.async_copy(mnew_flat.at[civ], valv, sem1).wait()
            pltpu.async_copy(valv, out_flat.at[fiv], sem2).wait()

    return _sc_fixup


def kernel(h, h_mean, h_var):
    out, mnew, cidx, fidx = _build_main(False)(h, h_mean, h_var)
    out_ref = jax.new_ref(out.reshape(_B * _N))
    _get_sc_fixup()(out_ref, mnew.reshape(_N), cidx.reshape(_B), fidx.reshape(_B))
    return out_ref[...].reshape(_B, _N)

# --- scband reference (transcript-rebuilt; emitter-appended) ---
"""Pipeline reference for scband-eme-l-43825846288779 (READ-ONLY COPY).

The authoritative reference and input builder live on the scoring server;
editing this copy changes nothing except your own understanding.
"""

import jax, jax.numpy as jnp
import numpy as np

H_UPPER = 10.0

def setup_inputs(seed: int = 0) -> dict:
    key = jax.random.key(seed)
    k1, k2, k3 = jax.random.split(key, 3)
    h = jax.random.normal(k1, (128, 32768), dtype=jnp.float32)
    h_mean = jax.random.normal(k2, (1, 32768), dtype=jnp.float32)
    h_var = jax.random.uniform(k3, (1, 32768), dtype=jnp.float32, minval=0.05, maxval=1.0)
    return {"h": h, "h_mean": h_mean, "h_var": h_var}


def reference(h, h_mean, h_var):
    # Steady-state training-mode forward (h_count > h_upper): running-stat
    # update followed by punish_best. Stats are computed on detached h.
    B = h.shape[0]
    bs = float(B)
    h_ = jax.lax.stop_gradient(h)
    h_u = jnp.mean(h_, axis=0, keepdims=True)
    h_v = jnp.var(h_, axis=0, keepdims=True)  # unbiased=False (population var)
    h_var_new = (h_var * (H_UPPER - 1.0 / bs) + h_v + (h_u - h_mean) ** 2 / (1.0 + 1.0 / H_UPPER)) / (H_UPPER + 1.0 - 1.0 / bs)
    h_mean_new = (h_mean * H_UPPER + h_u) / (H_UPPER + 1.0)
    # punish_best: replace per-row max-deviant element with the running mean value
    shape = h.shape
    score = ((h - h_mean_new) ** 2) / (h_var_new + jnp.mean(h_var_new) / 100.0)
    score2 = score.reshape(B, -1)
    total_dim = score2.shape[1]
    idx = jnp.argmax(score2, axis=1)  # [B]
    h_idx = idx + jnp.arange(B, dtype=idx.dtype) * total_dim
    hf = h.reshape(-1)
    change = jnp.zeros_like(hf).at[h_idx].set(1.0)
    hm_flat = h_mean_new.reshape(-1)
    inc = jnp.zeros_like(hf).at[h_idx].set(hm_flat[idx] + jax.lax.stop_gradient(hf)[h_idx])
    out = (1.0 - change * 2.0) * hf + inc
    return out.reshape(shape)

if __name__ == "__main__":
    import jax
    _d = setup_inputs()
    print(jax.jit(kernel)(*tuple(_d.values())))

</pallas_src>

<mosaic_0001>
#map = affine_map<(d0, d1) -> (0)>
module attributes {stable_mosaic.version = 14 : i64} {
  func.func @new_body(%arg0: i32, %arg1: i32, %arg2: memref<4194304xf32, #tpu.memory_space<hbm>>, %arg3: memref<32768xf32, #tpu.memory_space<hbm>>, %arg4: memref<128xi32, #tpu.memory_space<hbm>>, %arg5: memref<128xi32, #tpu.memory_space<hbm>>, %arg6: memref<4194304xf32, #tpu.memory_space<hbm>>, %arg7: memref<16xi32, #tpu.memory_space<vmem>>, %arg8: memref<16xi32, #tpu.memory_space<vmem>>, %arg9: memref<16xf32, #tpu.memory_space<vmem>>, %arg10: memref<!tpu.dma_semaphore, #tpu.memory_space<semaphore_mem>>, %arg11: memref<!tpu.dma_semaphore, #tpu.memory_space<semaphore_mem>>) attributes {dimension_semantics = [#tpu.dimension_semantics<core_parallel>, #tpu.dimension_semantics<subcore_parallel>], iteration_bounds = array<i64: 2, 16>, scalar_prefetch = 0 : i64, scratch_operands = 5 : i64, tpu.core_type = #tpu.core_type<sc_vector_subcore>, window_params = [{transform_indices = #map}, {transform_indices = #map}, {transform_indices = #map}, {transform_indices = #map}, {transform_indices = #map}]} {
    %mul3A = arith.constant 2 : i32
    %mul3A_0 = arith.muli %arg1, %mul3A : i32
    %add3A = arith.addi %mul3A_0, %arg0 : i32
    %lt3A = arith.constant 8 : i32
    %lt3A_1 = arith.cmpi slt, %add3A, %lt3A : i32
    %convert_element_type3A = arith.extui %lt3A_1 : i1 to i32
    %cond3A = arith.constant 0 : i32
    %cond3A_2 = arith.cmpi ne, %convert_element_type3A, %cond3A : i32
    scf.if %cond3A_2 {
      %mul3A_3 = arith.constant 16 : i32
      %mul3A_4 = arith.muli %add3A, %mul3A_3 : i32
      "tpu.region"() ({
        %run_scoped3A = tpu.sem_alloc : memref<!tpu.dma_semaphore, #tpu.memory_space<semaphore_mem>>
        %dma_start3A_11 = tpu.memref_slice %arg4[%mul3A_4] : memref<128xi32, #tpu.memory_space<hbm>> -> memref<16xi32, #tpu.memory_space<hbm>>
        %dma_start3A_12 = tpu.memref_slice %arg4[%mul3A_4] : memref<128xi32, #tpu.memory_space<hbm>> -> memref<16xi32, #tpu.memory_space<hbm>>
        tpu.enqueue_dma source(%dma_start3A_12 : memref<16xi32, #tpu.memory_space<hbm>>) target(%arg7 : memref<16xi32, #tpu.memory_space<vmem>>) target_semaphore(%run_scoped3A : memref<!tpu.dma_semaphore, #tpu.memory_space<semaphore_mem>>)
        %dma_wait3A_13 = tpu.memref_slice %arg4[%mul3A_4] : memref<128xi32, #tpu.memory_space<hbm>> -> memref<16xi32, #tpu.memory_space<hbm>>
        %dma_wait3A_14 = tpu.memref_slice %arg4[%mul3A_4] : memref<128xi32, #tpu.memory_space<hbm>> -> memref<16xi32, #tpu.memory_space<hbm>>
        tpu.wait_dma2 semaphore(%run_scoped3A : memref<!tpu.dma_semaphore, #tpu.memory_space<semaphore_mem>>) src(%dma_wait3A_14 : memref<16xi32, #tpu.memory_space<hbm>>) dst(%arg7 : memref<16xi32, #tpu.memory_space<vmem>>)
        tpu.yield
      }) : () -> ()
      "tpu.region"() ({
        %run_scoped3A = tpu.sem_alloc : memref<!tpu.dma_semaphore, #tpu.memory_space<semaphore_mem>>
        %dma_start3A_11 = tpu.memref_slice %arg5[%mul3A_4] : memref<128xi32, #tpu.memory_space<hbm>> -> memref<16xi32, #tpu.memory_space<hbm>>
        %dma_start3A_12 = tpu.memref_slice %arg5[%mul3A_4] : memref<128xi32, #tpu.memory_space<hbm>> -> memref<16xi32, #tpu.memory_space<hbm>>
        tpu.enqueue_dma source(%dma_start3A_12 : memref<16xi32, #tpu.memory_space<hbm>>) target(%arg8 : memref<16xi32, #tpu.memory_space<vmem>>) target_semaphore(%run_scoped3A : memref<!tpu.dma_semaphore, #tpu.memory_space<semaphore_mem>>)
        %dma_wait3A_13 = tpu.memref_slice %arg5[%mul3A_4] : memref<128xi32, #tpu.memory_space<hbm>> -> memref<16xi32, #tpu.memory_space<hbm>>
        %dma_wait3A_14 = tpu.memref_slice %arg5[%mul3A_4] : memref<128xi32, #tpu.memory_space<hbm>> -> memref<16xi32, #tpu.memory_space<hbm>>
        tpu.wait_dma2 semaphore(%run_scoped3A : memref<!tpu.dma_semaphore, #tpu.memory_space<semaphore_mem>>) src(%dma_wait3A_14 : memref<16xi32, #tpu.memory_space<hbm>>) dst(%arg8 : memref<16xi32, #tpu.memory_space<vmem>>)
        tpu.yield
      }) : () -> ()
      %dma_start3A = arith.constant 0 : i32
      %dma_start3A_5 = tpu.memref_slice %arg3[%dma_start3A] : memref<32768xf32, #tpu.memory_space<hbm>> -> memref<32768xf32, #tpu.memory_space<hbm>>
      tpu.enqueue_indirect_dma source(%dma_start3A_5 : memref<32768xf32, #tpu.memory_space<hbm>>) target(%arg9 : memref<16xf32, #tpu.memory_space<vmem>>) offsets(%arg7 : memref<16xi32, #tpu.memory_space<vmem>>) semaphore(%arg10 : memref<!tpu.dma_semaphore, #tpu.memory_space<semaphore_mem>>)
      %dma_wait3A = arith.constant 0 : i32
      %dma_wait3A_6 = tpu.memref_slice %arg3[%dma_wait3A] : memref<32768xf32, #tpu.memory_space<hbm>> -> memref<32768xf32, #tpu.memory_space<hbm>>
      tpu.wait_indirect_dma semaphore(%arg10 : memref<!tpu.dma_semaphore, #tpu.memory_space<semaphore_mem>>) src(%dma_wait3A_6 : memref<32768xf32, #tpu.memory_space<hbm>>) dst(%arg9 : memref<16xf32, #tpu.memory_space<vmem>>)
      %dma_start3A_7 = arith.constant 0 : i32
      %dma_start3A_8 = tpu.memref_slice %arg2[%dma_start3A_7] : memref<4194304xf32, #tpu.memory_space<hbm>> -> memref<4194304xf32, #tpu.memory_space<hbm>>
      tpu.enqueue_indirect_dma source(%arg9 : memref<16xf32, #tpu.memory_space<vmem>>) target(%dma_start3A_8 : memref<4194304xf32, #tpu.memory_space<hbm>>) offsets(%arg8 : memref<16xi32, #tpu.memory_space<vmem>>) semaphore(%arg11 : memref<!tpu.dma_semaphore, #tpu.memory_space<semaphore_mem>>)
      %dma_wait3A_9 = arith.constant 0 : i32
      %dma_wait3A_10 = tpu.memref_slice %arg2[%dma_wait3A_9] : memref<4194304xf32, #tpu.memory_space<hbm>> -> memref<4194304xf32, #tpu.memory_space<hbm>>
      tpu.wait_indirect_dma semaphore(%arg11 : memref<!tpu.dma_semaphore, #tpu.memory_space<semaphore_mem>>) src(%arg9 : memref<16xf32, #tpu.memory_space<vmem>>) dst(%dma_wait3A_10 : memref<4194304xf32, #tpu.memory_space<hbm>>)
    } else {
    }
    return
  }
}

module attributes {stable_mosaic.version = 14 : i64} {
  func.func @_main_body(%arg0: i32, %arg1: i32, %arg2: memref<128x4096xf32, #tpu.memory_space<vmem>>, %arg3: memref<1x4096xf32, #tpu.memory_space<vmem>>, %arg4: memref<1x4096xf32, #tpu.memory_space<vmem>>, %arg5: memref<128x4096xf32, #tpu.memory_space<vmem>>, %arg6: memref<1x4096xf32, #tpu.memory_space<vmem>>, %arg7: memref<128x1xi32, #tpu.memory_space<vmem>>, %arg8: memref<128x1xi32, #tpu.memory_space<vmem>>, %arg9: memref<1x32768xf32, #tpu.memory_space<vmem>>, %arg10: memref<1x32768xf32, #tpu.memory_space<vmem>>, %arg11: memref<1x4096xf32, #tpu.memory_space<vmem>>, %arg12: memref<1x1xf32, #tpu.memory_space<smem>>, %arg13: memref<128x1xf32, #tpu.memory_space<vmem>>, %arg14: memref<128x1xf32, #tpu.memory_space<vmem>>) attributes {dimension_semantics = [#tpu.dimension_semantics<arbitrary>, #tpu.dimension_semantics<arbitrary>], iteration_bounds = array<i64: 2, 8>, scalar_prefetch = 0 : i64, scratch_operands = 6 : i64, tpu.core_type = #tpu.core_type<tc>, window_params = [{transform_indices = @transform_0, window_bounds = array<i64: 128, 4096>}, {transform_indices = @transform_1, window_bounds = array<i64: 1, 4096>}, {transform_indices = @transform_2, window_bounds = array<i64: 1, 4096>}, {transform_indices = @transform_3, window_bounds = array<i64: 128, 4096>}, {transform_indices = @transform_4, window_bounds = array<i64: 1, 4096>}, {pipeline_mode = #tpu.pipeline_mode<synchronous>, transform_indices = @transform_5, window_bounds = array<i64: 128, 1>}, {pipeline_mode = #tpu.pipeline_mode<synchronous>, transform_indices = @transform_6, window_bounds = array<i64: 128, 1>}]} {
    %mul3A = arith.constant 4096 : i32
    %mul3A_0 = arith.muli %arg1, %mul3A : i32
    %eq3A = arith.constant 0 : i32
    %eq3A_1 = arith.cmpi eq, %arg0, %eq3A : i32
    %convert_element_type3A = arith.extui %eq3A_1 : i1 to i32
    %cond3A = arith.constant 0 : i32
    %cond3A_2 = arith.cmpi ne, %convert_element_type3A, %cond3A : i32
    scf.if %cond3A_2 {
      %get3A = arith.constant 0 : index
      %get3A_8 = arith.constant 0 : index
      %get3A_9 = vector.load %arg2[%get3A, %get3A_8] : memref<128x4096xf32, #tpu.memory_space<vmem>>, vector<128x4096xf32>
      %swap3A = arith.constant 0 : index
      %swap3A_10 = arith.constant 0 : index
      %swap3A_11 = vector.load %arg5[%swap3A, %swap3A_10] : memref<128x4096xf32, #tpu.memory_space<vmem>>, vector<128x4096xf32>
      tpu.vector_store %arg5[%swap3A, %swap3A_10], %get3A_9 {strides = array<i32>} : memref<128x4096xf32, #tpu.memory_space<vmem>>, vector<128x4096xf32>,
      %broadcast_in_dim3A = arith.constant 7.812500e-03 : f32
      %broadcast_in_dim3A_12 = vector.broadcast %broadcast_in_dim3A : f32 to vector<1x128xf32>
      %dot_general3A = arith.constant dense<0.000000e+00> : vector<1x4096xf32>
      %dot_general3A_13 = tpu.matmul %broadcast_in_dim3A_12, %get3A_9, %dot_general3A {dimension_numbers = #tpu.dot_dimension_numbers<[1], [0], [0], [1], [0, 0, 1, 1], [], []>, transpose_lhs_hint = false} : vector<1x128xf32>, vector<128x4096xf32>, vector<1x4096xf32> -> vector<1x4096xf32>
      %mul3A_14 = arith.mulf %get3A_9, %get3A_9 : vector<128x4096xf32>
      %dot_general3A_15 = arith.constant dense<0.000000e+00> : vector<1x4096xf32>
      %dot_general3A_16 = tpu.matmul %broadcast_in_dim3A_12, %mul3A_14, %dot_general3A_15 {dimension_numbers = #tpu.dot_dimension_numbers<[1], [0], [0], [1], [0, 0, 1, 1], [], []>, transpose_lhs_hint = false} : vector<1x128xf32>, vector<128x4096xf32>, vector<1x4096xf32> -> vector<1x4096xf32>
      %mul3A_17 = arith.mulf %dot_general3A_13, %dot_general3A_13 : vector<1x4096xf32>
      %sub3A = arith.subf %dot_general3A_16, %mul3A_17 : vector<1x4096xf32>
      %get3A_18 = arith.constant 0 : index
      %get3A_19 = arith.constant 0 : index
      %get3A_20 = vector.load %arg3[%get3A_18, %get3A_19] : memref<1x4096xf32, #tpu.memory_space<vmem>>, vector<1x4096xf32>
      %get3A_21 = arith.constant 0 : index
      %get3A_22 = arith.constant 0 : index
      %get3A_23 = vector.load %arg4[%get3A_21, %get3A_22] : memref<1x4096xf32, #tpu.memory_space<vmem>>, vector<1x4096xf32>
      %mul3A_24 = arith.constant 1.000000e+01 : f32
      %mul3A_25 = vector.broadcast %mul3A_24 : f32 to vector<1x4096xf32>
      %mul3A_26 = arith.mulf %get3A_20, %mul3A_25 : vector<1x4096xf32>
      %add3A = arith.addf %mul3A_26, %dot_general3A_13 : vector<1x4096xf32>
      %div3A = arith.constant 1.100000e+01 : f32
      %div3A_27 = vector.broadcast %div3A : f32 to vector<1x4096xf32>
      %div3A_28 = arith.divf %add3A, %div3A_27 : vector<1x4096xf32>
      %mul3A_29 = arith.constant 9.9921875 : f32
      %mul3A_30 = vector.broadcast %mul3A_29 : f32 to vector<1x4096xf32>
      %mul3A_31 = arith.mulf %get3A_23, %mul3A_30 : vector<1x4096xf32>
      %add3A_32 = arith.addf %mul3A_31, %sub3A : vector<1x4096xf32>
      %sub3A_33 = arith.subf %dot_general3A_13, %get3A_20 : vector<1x4096xf32>
      %integer_pow3A = arith.mulf %sub3A_33, %sub3A_33 : vector<1x4096xf32>
      %div3A_34 = arith.constant 1.100000e+00 : f32
      %div3A_35 = vector.broadcast %div3A_34 : f32 to vector<1x4096xf32>
      %div3A_36 = arith.divf %integer_pow3A, %div3A_35 : vector<1x4096xf32>
      %add3A_37 = arith.addf %add3A_32, %div3A_36 : vector<1x4096xf32>
      %div3A_38 = arith.constant 10.9921875 : f32
      %div3A_39 = vector.broadcast %div3A_38 : f32 to vector<1x4096xf32>
      %div3A_40 = arith.divf %add3A_37, %div3A_39 : vector<1x4096xf32>
      %swap3A_41 = arith.constant 0 : index
      %swap3A_42 = arith.index_cast %mul3A_0 : i32 to index
      %swap3A_43 = vector.load %arg9[%swap3A_41, %swap3A_42] : memref<1x32768xf32, #tpu.memory_space<vmem>>, vector<1x4096xf32>
      tpu.vector_store %arg9[%swap3A_41, %swap3A_42], %div3A_28 {strides = array<i32>} : memref<1x32768xf32, #tpu.memory_space<vmem>>, vector<1x4096xf32>,
      %swap3A_44 = arith.constant 0 : index
      %swap3A_45 = arith.index_cast %mul3A_0 : i32 to index
      %swap3A_46 = vector.load %arg10[%swap3A_44, %swap3A_45] : memref<1x32768xf32, #tpu.memory_space<vmem>>, vector<1x4096xf32>
      tpu.vector_store %arg10[%swap3A_44, %swap3A_45], %div3A_40 {strides = array<i32>} : memref<1x32768xf32, #tpu.memory_space<vmem>>, vector<1x4096xf32>,
      %swap3A_47 = arith.constant 0 : index
      %swap3A_48 = arith.constant 0 : index
      %swap3A_49 = vector.load %arg6[%swap3A_47, %swap3A_48] : memref<1x4096xf32, #tpu.memory_space<vmem>>, vector<1x4096xf32>
      tpu.vector_store %arg6[%swap3A_47, %swap3A_48], %div3A_28 {strides = array<i32>} : memref<1x4096xf32, #tpu.memory_space<vmem>>, vector<1x4096xf32>,
      %eq3A_50 = arith.constant 0 : i32
      %eq3A_51 = arith.cmpi eq, %arg1, %eq3A_50 : i32
      %convert_element_type3A_52 = arith.extui %eq3A_51 : i1 to i32
      %cond3A_53 = arith.constant 0 : i32
      %cond3A_54 = arith.cmpi ne, %convert_element_type3A_52, %cond3A_53 : i32
      scf.if %cond3A_54 {
        %swap3A_66 = arith.constant 0.000000e+00 : f32
        %swap3A_67 = arith.constant 0 : index
        %swap3A_68 = arith.constant 0 : index
        %swap3A_69 = memref.load %arg12[%swap3A_67, %swap3A_68] : memref<1x1xf32, #tpu.memory_space<smem>>
        memref.store %swap3A_66, %arg12[%swap3A_67, %swap3A_68] : memref<1x1xf32, #tpu.memory_space<smem>>
        %iota3A = tpu.iota {dimensions = array<i32: 1>} : vector<1x4096xi32>
        %convert_element_type3A_70 = arith.sitofp %iota3A : vector<1x4096xi32> to vector<1x4096xf32>
        %neg3A = arith.constant 0.000000e+00 : f32
        %neg3A_71 = vector.broadcast %neg3A : f32 to vector<1x4096xf32>
        %neg3A_72 = arith.subf %neg3A_71, %convert_element_type3A_70 : vector<1x4096xf32>
        %swap3A_73 = arith.constant 0 : index
        %swap3A_74 = arith.constant 0 : index
        %swap3A_75 = vector.load %arg11[%swap3A_73, %swap3A_74] : memref<1x4096xf32, #tpu.memory_space<vmem>>, vector<1x4096xf32>
        tpu.vector_store %arg11[%swap3A_73, %swap3A_74], %neg3A_72 {strides = array<i32>} : memref<1x4096xf32, #tpu.memory_space<vmem>>, vector<1x4096xf32>,
      } else {
      }
      %get3A_55 = arith.constant 0 : index
      %get3A_56 = arith.constant 0 : index
      %get3A_57 = memref.load %arg12[%get3A_55, %get3A_56] : memref<1x1xf32, #tpu.memory_space<smem>>
      %reduce_sum3A = vector.shape_cast %div3A_40 : vector<1x4096xf32> to vector<1x1x4096xf32>
      %reduce_sum3A_58 = arith.constant dense<0.000000e+00> : vector<1xf32>
      %reduce_sum3A_59 = vector.multi_reduction <add>, %reduce_sum3A, %reduce_sum3A_58 [1, 2] : vector<1x1x4096xf32> to vector<1xf32>
      %reduce_sum3A_60 = vector.shape_cast %reduce_sum3A_59 : vector<1xf32> to vector<1x1x1xf32>
      %reduce_sum3A_61 = vector.extract %reduce_sum3A_60[0, 0, 0] : f32 from vector<1x1x1xf32>
      %add3A_62 = arith.addf %get3A_57, %reduce_sum3A_61 : f32
      %swap3A_63 = arith.constant 0 : index
      %swap3A_64 = arith.constant 0 : index
      %swap3A_65 = memref.load %arg12[%swap3A_63, %swap3A_64] : memref<1x1xf32, #tpu.memory_space<smem>>
      memref.store %add3A_62, %arg12[%swap3A_63, %swap3A_64] : memref<1x1xf32, #tpu.memory_space<smem>>
    } else {
    }
    %eq3A_3 = arith.constant 1 : i32
    %eq3A_4 = arith.cmpi eq, %arg0, %eq3A_3 : i32
    %convert_element_type3A_5 = arith.extui %eq3A_4 : i1 to i32
    %cond3A_6 = arith.constant 0 : i32
    %cond3A_7 = arith.cmpi ne, %convert_element_type3A_5, %cond3A_6 : i32
    scf.if %cond3A_7 {
      %get3A = arith.constant 0 : index
      %get3A_8 = arith.constant 0 : index
      %get3A_9 = vector.load %arg2[%get3A, %get3A_8] : memref<128x4096xf32, #tpu.memory_space<vmem>>, vector<128x4096xf32>
      %get3A_10 = arith.constant 0 : index
      %get3A_11 = arith.index_cast %mul3A_0 : i32 to index
      %get3A_12 = vector.load %arg9[%get3A_10, %get3A_11] : memref<1x32768xf32, #tpu.memory_space<vmem>>, vector<1x4096xf32>
      %get3A_13 = arith.constant 0 : index
      %get3A_14 = arith.index_cast %mul3A_0 : i32 to index
      %get3A_15 = vector.load %arg10[%get3A_13, %get3A_14] : memref<1x32768xf32, #tpu.memory_space<vmem>>, vector<1x4096xf32>
      %get3A_16 = arith.constant 0 : index
      %get3A_17 = arith.constant 0 : index
      %get3A_18 = memref.load %arg12[%get3A_16, %get3A_17] : memref<1x1xf32, #tpu.memory_space<smem>>
      %div3A = arith.constant 3.276800e+06 : f32
      %div3A_19 = arith.divf %get3A_18, %div3A : f32
      %add3A = vector.broadcast %div3A_19 : f32 to vector<1x4096xf32>
      %add3A_20 = arith.addf %get3A_15, %add3A : vector<1x4096xf32>
      %div3A_21 = arith.constant 1.000000e+00 : f32
      %div3A_22 = vector.broadcast %div3A_21 : f32 to vector<1x4096xf32>
      %div3A_23 = arith.divf %div3A_22, %add3A_20 : vector<1x4096xf32>
      %sub3A = vector.broadcast %get3A_12 : vector<1x4096xf32> to vector<128x4096xf32>
      %sub3A_24 = arith.subf %get3A_9, %sub3A : vector<128x4096xf32>
      %mul3A_25 = arith.mulf %sub3A_24, %sub3A_24 : vector<128x4096xf32>
      %mul3A_26 = vector.broadcast %div3A_23 : vector<1x4096xf32> to vector<128x4096xf32>
      %mul3A_27 = arith.mulf %mul3A_25, %mul3A_26 : vector<128x4096xf32>
      %reduce_max3A = arith.constant dense<0xFF800000> : vector<128xf32>
      %reduce_max3A_28 = vector.multi_reduction <maximumf>, %mul3A_27, %reduce_max3A [1] : vector<128x4096xf32> to vector<128xf32>
      %broadcast_in_dim3A = vector.shape_cast %reduce_max3A_28 : vector<128xf32> to vector<128x1xf32>
      %get3A_29 = arith.constant 0 : index
      %get3A_30 = arith.constant 0 : index
      %get3A_31 = vector.load %arg11[%get3A_29, %get3A_30] : memref<1x4096xf32, #tpu.memory_space<vmem>>, vector<1x4096xf32>
      %mul3A_32 = arith.constant 4096 : i32
      %mul3A_33 = arith.muli %arg1, %mul3A_32 : i32
      %convert_element_type3A_34 = arith.sitofp %mul3A_33 : i32 to f32
      %sub3A_35 = vector.broadcast %convert_element_type3A_34 : f32 to vector<1x4096xf32>
      %sub3A_36 = arith.subf %get3A_31, %sub3A_35 : vector<1x4096xf32>
      %eq3A_37 = vector.broadcast %broadcast_in_dim3A : vector<128x1xf32> to vector<128x4096xf32>
      %eq3A_38 = arith.cmpf oeq, %mul3A_27, %eq3A_37 : vector<128x4096xf32>
      %jit3A = arith.constant 0xFF800000 : f32
      %broadcast_in_dim3A_39 = vector.shape_cast %sub3A_36 : vector<1x4096xf32> to vector<1x4096xf32>
      %broadcast_in_dim3A_40 = vector.broadcast %broadcast_in_dim3A_39 : vector<1x4096xf32> to vector<128x4096xf32>
      %broadcast_in_dim3A_41 = vector.broadcast %jit3A : f32 to vector<128x4096xf32>
      %select_n3A = arith.select %eq3A_38, %broadcast_in_dim3A_40, %broadcast_in_dim3A_41 : vector<128x4096xi1>, vector<128x4096xf32>
      %reduce_max3A_42 = arith.constant dense<0xFF800000> : vector<128xf32>
      %reduce_max3A_43 = vector.multi_reduction <maximumf>, %select_n3A, %reduce_max3A_42 [1] : vector<128x4096xf32> to vector<128xf32>
      %broadcast_in_dim3A_44 = vector.shape_cast %reduce_max3A_43 : vector<128xf32> to vector<128x1xf32>
      %eq3A_45 = arith.constant 0 : i32
      %eq3A_46 = arith.cmpi eq, %arg1, %eq3A_45 : i32
      %convert_element_type3A_47 = arith.extui %eq3A_46 : i1 to i32
      %cond3A_48 = arith.constant 0 : i32
      %cond3A_49 = arith.cmpi ne, %convert_element_type3A_47, %cond3A_48 : i32
      scf.if %cond3A_49 {
        %swap3A = arith.constant 0 : index
        %swap3A_59 = arith.constant 0 : index
        %swap3A_60 = vector.load %arg13[%swap3A, %swap3A_59] : memref<128x1xf32, #tpu.memory_space<vmem>>, vector<128x1xf32>
        tpu.vector_store %arg13[%swap3A, %swap3A_59], %broadcast_in_dim3A {strides = array<i32>} : memref<128x1xf32, #tpu.memory_space<vmem>>, vector<128x1xf32>,
        %swap3A_61 = arith.constant 0 : index
        %swap3A_62 = arith.constant 0 : index
        %swap3A_63 = vector.load %arg14[%swap3A_61, %swap3A_62] : memref<128x1xf32, #tpu.memory_space<vmem>>, vector<128x1xf32>
        tpu.vector_store %arg14[%swap3A_61, %swap3A_62], %broadcast_in_dim3A_44 {strides = array<i32>} : memref<128x1xf32, #tpu.memory_space<vmem>>, vector<128x1xf32>,
      } else {
      }
      %ne3A = arith.constant 0 : i32
      %ne3A_50 = arith.cmpi ne, %arg1, %ne3A : i32
      %convert_element_type3A_51 = arith.extui %ne3A_50 : i1 to i32
      %cond3A_52 = arith.constant 0 : i32
      %cond3A_53 = arith.cmpi ne, %convert_element_type3A_51, %cond3A_52 : i32
      scf.if %cond3A_53 {
        %get3A_59 = arith.constant 0 : index
        %get3A_60 = arith.constant 0 : index
        %get3A_61 = vector.load %arg13[%get3A_59, %get3A_60] : memref<128x1xf32, #tpu.memory_space<vmem>>, vector<128x1xf32>
        %gt3A = arith.cmpf ogt, %broadcast_in_dim3A, %get3A_61 : vector<128x1xf32>
        %get3A_62 = arith.constant 0 : index
        %get3A_63 = arith.constant 0 : index
        %get3A_64 = vector.load %arg13[%get3A_62, %get3A_63] : memref<128x1xf32, #tpu.memory_space<vmem>>, vector<128x1xf32>
        %select_n3A_65 = arith.select %gt3A, %broadcast_in_dim3A, %get3A_64 : vector<128x1xi1>, vector<128x1xf32>
        %swap3A = arith.constant 0 : index
        %swap3A_66 = arith.constant 0 : index
        %swap3A_67 = vector.load %arg13[%swap3A, %swap3A_66] : memref<128x1xf32, #tpu.memory_space<vmem>>, vector<128x1xf32>
        tpu.vector_store %arg13[%swap3A, %swap3A_66], %select_n3A_65 {strides = array<i32>} : memref<128x1xf32, #tpu.memory_space<vmem>>, vector<128x1xf32>,
        %get3A_68 = arith.constant 0 : index
        %get3A_69 = arith.constant 0 : index
        %get3A_70 = vector.load %arg14[%get3A_68, %get3A_69] : memref<128x1xf32, #tpu.memory_space<vmem>>, vector<128x1xf32>
        %select_n3A_71 = arith.select %gt3A, %broadcast_in_dim3A_44, %get3A_70 : vector<128x1xi1>, vector<128x1xf32>
        %swap3A_72 = arith.constant 0 : index
        %swap3A_73 = arith.constant 0 : index
        %swap3A_74 = vector.load %arg14[%swap3A_72, %swap3A_73] : memref<128x1xf32, #tpu.memory_space<vmem>>, vector<128x1xf32>
        tpu.vector_store %arg14[%swap3A_72, %swap3A_73], %select_n3A_71 {strides = array<i32>} : memref<128x1xf32, #tpu.memory_space<vmem>>, vector<128x1xf32>,
      } else {
      }
      %eq3A_54 = arith.constant 7 : i32
      %eq3A_55 = arith.cmpi eq, %arg1, %eq3A_54 : i32
      %convert_element_type3A_56 = arith.extui %eq3A_55 : i1 to i32
      %cond3A_57 = arith.constant 0 : i32
      %cond3A_58 = arith.cmpi ne, %convert_element_type3A_56, %cond3A_57 : i32
      scf.if %cond3A_58 {
        %get3A_59 = arith.constant 0 : index
        %get3A_60 = arith.constant 0 : index
        %get3A_61 = vector.load %arg14[%get3A_59, %get3A_60] : memref<128x1xf32, #tpu.memory_space<vmem>>, vector<128x1xf32>
        %neg3A = arith.constant 0.000000e+00 : f32
        %neg3A_62 = vector.broadcast %neg3A : f32 to vector<128x1xf32>
        %neg3A_63 = arith.subf %neg3A_62, %get3A_61 : vector<128x1xf32>
        %convert_element_type3A_64 = arith.fptosi %neg3A_63 : vector<128x1xf32> to vector<128x1xi32>
        %swap3A = arith.constant 0 : index
        %swap3A_65 = arith.constant 0 : index
        %swap3A_66 = vector.load %arg7[%swap3A, %swap3A_65] : memref<128x1xi32, #tpu.memory_space<vmem>>, vector<128x1xi32>
        tpu.vector_store %arg7[%swap3A, %swap3A_65], %convert_element_type3A_64 {strides = array<i32>} : memref<128x1xi32, #tpu.memory_space<vmem>>, vector<128x1xi32>,
        %iota3A = tpu.iota {dimensions = array<i32: 0>} : vector<128x1xi32>
        %mul3A_67 = arith.constant 32768 : i32
        %mul3A_68 = vector.broadcast %mul3A_67 : i32 to vector<128x1xi32>
        %mul3A_69 = arith.muli %iota3A, %mul3A_68 : vector<128x1xi32>
        %add3A_70 = arith.addi %convert_element_type3A_64, %mul3A_69 : vector<128x1xi32>
        %swap3A_71 = arith.constant 0 : index
        %swap3A_72 = arith.constant 0 : index
        %swap3A_73 = vector.load %arg8[%swap3A_71, %swap3A_72] : memref<128x1xi32, #tpu.memory_space<vmem>>, vector<128x1xi32>
        tpu.vector_store %arg8[%swap3A_71, %swap3A_72], %add3A_70 {strides = array<i32>} : memref<128x1xi32, #tpu.memory_space<vmem>>, vector<128x1xi32>,
      } else {
      }
    } else {
    }
    return
  }
  func.func @transform_0(%arg0: i32, %arg1: i32) -> (i32, i32) {
    %c0_i32 = arith.constant 0 : i32
    %c0_i32_0 = arith.constant 0 : i32
    return %c0_i32, %arg1 : i32, i32
  }
  func.func @transform_1(%arg0: i32, %arg1: i32) -> (i32, i32) {
    %eq3A = arith.constant 0 : i32
    %eq3A_0 = arith.cmpi eq, %arg0, %eq3A : i32
    %jit3A = arith.constant 7 : i32
    %select_n3A = arith.select %eq3A_0, %arg1, %jit3A : i32
    %c0_i32 = arith.constant 0 : i32
    %c0_i32_1 = arith.constant 0 : i32
    return %c0_i32, %select_n3A : i32, i32
  }
  func.func @transform_2(%arg0: i32, %arg1: i32) -> (i32, i32) {
    %eq3A = arith.constant 0 : i32
    %eq3A_0 = arith.cmpi eq, %arg0, %eq3A : i32
    %jit3A = arith.constant 7 : i32
    %select_n3A = arith.select %eq3A_0, %arg1, %jit3A : i32
    %c0_i32 = arith.constant 0 : i32
    %c0_i32_1 = arith.constant 0 : i32
    return %c0_i32, %select_n3A : i32, i32
  }
  func.func @transform_3(%arg0: i32, %arg1: i32) -> (i32, i32) {
    %eq3A = arith.constant 0 : i32
    %eq3A_0 = arith.cmpi eq, %arg0, %eq3A : i32
    %jit3A = arith.constant 7 : i32
    %select_n3A = arith.select %eq3A_0, %arg1, %jit3A : i32
    %c0_i32 = arith.constant 0 : i32
    %c0_i32_1 = arith.constant 0 : i32
    return %c0_i32, %select_n3A : i32, i32
  }
  func.func @transform_4(%arg0: i32, %arg1: i32) -> (i32, i32) {
    %eq3A = arith.constant 0 : i32
    %eq3A_0 = arith.cmpi eq, %arg0, %eq3A : i32
    %jit3A = arith.constant 7 : i32
    %select_n3A = arith.select %eq3A_0, %arg1, %jit3A : i32
    %c0_i32 = arith.constant 0 : i32
    %c0_i32_1 = arith.constant 0 : i32
    return %c0_i32, %select_n3A : i32, i32
  }
  func.func @transform_5(%arg0: i32, %arg1: i32) -> (i32, i32) {
    %c0_i32 = arith.constant 0 : i32
    %c0_i32_0 = arith.constant 0 : i32
    %c0_i32_1 = arith.constant 0 : i32
    return %c0_i32, %c0_i32_0 : i32, i32
  }
  func.func @transform_6(%arg0: i32, %arg1: i32) -> (i32, i32) {
    %c0_i32 = arith.constant 0 : i32
    %c0_i32_0 = arith.constant 0 : i32
    %c0_i32_1 = arith.constant 0 : i32
    return %c0_i32, %c0_i32_0 : i32, i32
  }
}

</mosaic_0001>

<sc_bundles>
// kernel: kernel.4.cloned.1.call-start
scs
__scs_entry_jumppad:
0x0: {  	(pc) =	sbr.rel $0x88, $3  }
0x1: {  	(tag) =	ssettag $0x0;
	lr =	simm.s32 $0x1  }
0x2: {  	[smem:$0x3F9E] =	sst lr;
	_ =	strace $0xD0000000  }
0x3: {  	_ = 	snop  }
0x4: {  	_ = 	snop  }
0x5: {  	_ = 	snop  }
0x6: {  	_ = 	snop  }
0x7: {  	_ = 	snop  }
__scs_overlays_trampoline_lowered:
0x8: {  	[smem:$0x3FAD] =	sst s0  }
0x9: {  	[smem:$0x3FAE] =	sst s1  }
0xa: {  	[smem:$0x3FAF] =	sst s2  }
0xb: {  	[smem:$0x3FB0] =	sst s3  }
0xc: {  	[smem:$0x3FB1] =	sst s4  }
0xd: {  	[smem:$0x3FB2] =	sst s5  }
0xe: {  	[smem:$0x3FB3] =	sst s6  }
0xf: {  	[smem:$0x3FB4] =	sst s7  }
0x10: {  	[smem:$0x3FB5] =	sst s8  }
0x11: {  	[smem:$0x3FB6] =	sst s9;
	s0 =	simm.s32 @!p0 $0x0  }
0x12: {  	s1 =	sld [smem:$0x3F9C];
	s0 =	simm.s32 @p0 $0x1  }
0x13: {  	[smem:$0x3FB7] =	sst s0;
	s0 =	simm.s32 @!p1 $0x0  }
0x14: {  	s2 =	sld [smem:$0x3F9B];
	s0 =	simm.s32 @p1 $0x1  }
0x15: {  	[smem:$0x3FB8] =	sst s0;
	s0 =	simm.s32 @!p2 $0x0  }
0x16: {  	s3 =	sld [smem:$0x3FDB];
	s0 =	simm.s32 @p2 $0x1  }
0x17: {  	s4 =	simm.s32 $0x1BF5;
	[smem:$0x3FBA] =	sst s0  }
0x18: {  	s0 =	sld [smem:$0x3F9D];
	_ =	swait.ge [sflag:s4], $0x0  }
0x19: {  	s7 =	sld [smem:$0x3F9E]  }
0x1a: {  	s8 =	sadd.s32 $0xFFFFE003, lr  }
0x1b: {  	s9 =	sadd.s32 $0xFFFFFEF7, lr;
	s5 =	simm.s32 $0xFFFFFFFF;
	p2 =	slt.u32 s8, $0xFFFFF086  }
0x1c: {  	p1 =	slt.u32 s9, $0xF7A;
	s5 =	simm.s32 @!p2 $0x0  }
0x1d: {  	s5 =	simm.s32 @p1 $0x1;
	p0 =	seq.s32 s7, s2  }
0x1e: {  	s7 =	smul.u32 @!p0 $0xF7A, s2;
	p2 =	seq.s32 @!p0 s5, $0x0  }
0x1f: {  	s9 =	smul.u32 $0xF7A, s1;
	s8 =	simm.s32 @!p0 $0x1BF5;
	p2 =	por !p2, p0  }
0x20: {  	[sflag:s8] =	ssyncset.s32 @!p0 $0xFFFFF086;
	s6 =	sadd.s32 @!p0 s3, s7;
	s7 =	simm.s32 @!p0 $0x108  }
0x21: {  	s3 =	sadd.s32 s3, s9;
	s6 =	sadd.s32 @!p0 $0x88, s6;
	s7 =	simm.s32 @p2 $0x1082  }
0x22: {  	[simem:s7], [sflag:s8] =	dma.local @!p0 [hbm:s6], $0xF7A  }
0x23: {  	s9 =	sor.u32 $0xD0000000, s2;
	s6 =	simm.s32 $0x108;
	_ =	swait.ge @!p0 [sflag:s8], $0x0  }
0x24: {  	s3 =	sadd.s32 $0x88, s3;
	s6 =	simm.s32 @!p1 $0x1082;
	[sflag:s4] =	ssyncset.s32 $0xFFFFF086  }
0x25: {  	[simem:s6], [sflag:s4] =	dma.local [hbm:s3], $0xF7A  }
0x26: {  	[smem:$0x3F9E] =	sst s1;
	(tag) =	ssettag s2;
	_ =	strace s9  }
0x27: {  	s1 =	sld [smem:$0x3FAE]  }
0x28: {  	s2 =	sld [smem:$0x3FAF]  }
0x29: {  	s4 =	sld [smem:$0x3FB1]  }
0x2a: {  	p0 =	seq.s32 s5, $0x0;
	s5 =	sld [smem:$0x3FB2]  }
0x2b: {  	s6 =	sld [smem:$0x3FB3]  }
0x2c: {  	s7 =	sld [smem:$0x3FB4]  }
0x2d: {  	s3 =	simm.s32 $0x108;
	s8 =	sld [smem:$0x3FB5]  }
0x2e: {  	s3 =	simm.s32 @!p0 $0x1082;
	s9 =	sld [smem:$0x3FB6]  }
0x2f: {  	lr =	sadd.s32 s0, s3;
	s0 =	sld [smem:$0x3FAD]  }
0x30: {  	s3 =	sld [smem:$0x3FB0]  }
0x31: {  	[smem:$0x3FB9] =	sst s10  }
0x32: {  	s10 =	sld [smem:$0x3FB7];
	_ =	sdelay $0x3  }
0x33: {  	p0 =	seq.s32 s10, $0x1;
	s10 =	sld [smem:$0x3FB9];
	_ =	sdelay $0x3  }
0x34: {  	[smem:$0x3FB9] =	sst s10  }
0x35: {  	s10 =	sld [smem:$0x3FB8];
	_ =	sdelay $0x3  }
0x36: {  	p1 =	seq.s32 s10, $0x1;
	s10 =	sld [smem:$0x3FB9];
	_ =	sdelay $0x3  }
0x37: {  	[smem:$0x3FB9] =	sst s10  }
0x38: {  	s10 =	sld [smem:$0x3FBA]  }
0x39: {  	_ = 	snop;
	(pc) =	sbr.ind lr, $3  }
0x3a: {  	_ = 	snop  }
0x3b: {  	_ = 	snop  }
0x3c: {  	p2 =	seq.s32 s10, $0x1;
	s10 =	sld [smem:$0x3FB9]  }
0x3d: {  	_ =	shalt  }
0x3e: {  	_ =	shalt  }
0x3f: {  	_ =	shalt  }
0x40: {  	_ =	shalt  }
0x41: {  	_ =	shalt  }
0x42: {  	_ =	shalt  }
0x43: {  	_ =	shalt  }
0x44: {  	_ =	shalt  }
0x45: {  	_ =	shalt  }
0x46: {  	_ =	shalt  }
0x47: {  	_ =	shalt  }
0x48: {  	_ =	shalt  }
0x49: {  	_ =	shalt  }
0x4a: {  	_ =	shalt  }
0x4b: {  	_ =	shalt  }
0x4c: {  	_ =	shalt  }
0x4d: {  	_ =	shalt  }
0x4e: {  	_ =	shalt  }
0x4f: {  	_ =	shalt  }
0x50: {  	_ =	shalt  }
0x51: {  	_ =	shalt  }
0x52: {  	_ =	shalt  }
0x53: {  	_ =	shalt  }
0x54: {  	_ =	shalt  }
0x55: {  	_ =	shalt  }
0x56: {  	_ =	shalt  }
0x57: {  	_ =	shalt  }
0x58: {  	_ =	shalt  }
0x59: {  	_ =	shalt  }
0x5a: {  	_ =	shalt  }
0x5b: {  	_ =	shalt  }
0x5c: {  	_ =	shalt  }
0x5d: {  	_ =	shalt  }
0x5e: {  	_ =	shalt  }
0x5f: {  	_ =	shalt  }
0x60: {  	_ =	shalt  }
0x61: {  	_ =	shalt  }
0x62: {  	_ =	shalt  }
0x63: {  	_ =	shalt  }
0x64: {  	_ =	shalt  }
0x65: {  	_ =	shalt  }
0x66: {  	_ =	shalt  }
0x67: {  	_ =	shalt  }
0x68: {  	_ =	shalt  }
0x69: {  	_ =	shalt  }
0x6a: {  	_ =	shalt  }
0x6b: {  	_ =	shalt  }
0x6c: {  	_ =	shalt  }
0x6d: {  	_ =	shalt  }
0x6e: {  	_ =	shalt  }
0x6f: {  	_ =	shalt  }
0x70: {  	_ =	shalt  }
0x71: {  	_ =	shalt  }
0x72: {  	_ =	shalt  }
0x73: {  	_ =	shalt  }
0x74: {  	_ =	shalt  }
0x75: {  	_ =	shalt  }
0x76: {  	_ =	shalt  }
0x77: {  	_ =	shalt  }
0x78: {  	_ =	shalt  }
0x79: {  	_ =	shalt  }
0x7a: {  	_ =	shalt  }
0x7b: {  	_ =	shalt  }
0x7c: {  	_ =	shalt  }
0x7d: {  	_ =	shalt  }
0x7e: {  	_ =	shalt  }
0x7f: {  	_ =	shalt  }
0x80: {  	_ =	shalt  }
0x81: {  	_ =	shalt  }
0x82: {  	_ =	shalt  }
0x83: {  	_ =	shalt  }
0x84: {  	_ =	shalt  }
0x85: {  	_ =	shalt  }
0x86: {  	_ =	shalt  }
0x87: {  	_ =	shalt  }
.Lfunc_end0:
.L_simem_size_0:
called_computation_lowered:
.L_overlay_start_0:
0x88: {  	s2 =	sld [smem:$0x3FD9]  }
0x89: {  	s3 =	sld [smem:$0x3FFE];
	_ =	sdelay $0x1  }
0x8a: {  	s1 =	srdreg.scid  }
0x8b: {  	s0 =	sand.u32 $0x1, s1  }
0x8c: {  	s17 =	sshll.u32 s0, $0xA;
	s2 =	sadd.s32 s3, s2  }
0x8d: {  	s2 =	sadd.s32 s2, s17  }
0x8e: {  	[smem:$0x3FC5] =	sst s2  }
0x8f: {  	_ = 	snop  }
0x90: {  	s2 =	sld [smem:$0x3FD0];
	(tm) =	ssettm $0x1  }
0x91: {  	s18 =	sld [smem:$0x3FFB];
	_ =	sdelay $0x3  }
0x92: {  	_ =	strace s18  }
0x93: {  	s3 =	sld [smem:$0x3FFC];
	_ =	sdelay $0x3  }
0x94: {  	_ =	strace s3  }
0x95: {  	s3 =	sld [smem:$0x3FFD];
	_ =	sdelay $0x3  }
0x96: {  	_ =	strace s3  }
0x97: {  	_ =	strace $0x8FFFFFFF  }
0x98: {  	s19 =	sld [smem:$0x3FDB];
	_ =	sdelay $0x1  }
0x99: {  	s4 =	simm.s32 $_scs_section_size  }
0x9a: {  	s5 =	simm.s32 $_size__tile_overlayer_lowered;
	s6 =	simm.s32 $_tile_overlayer_lowered  }
0x9b: {  	s22 =	simm.s32 $0x1BFF;
	s21 =	sshll.u32 s6, $0x1;
	s3 =	sadd.s32 s4, s19  }
0x9c: {  	s7 =	simm.s32 $0x0;
	s20 =	sshll.u32 s5, $0x1;
	s5 =	sadd.s32 s21, s3  }
0x9d: {  	[timem:s7], [sflag:s22] =	dma.local [hbm:s5], s20  }
0x9e: {  	_ =	swait.ge [sflag:s22], s20  }
0x9f: {  	s4 =	ssub.s32 $0x0, s20;
	[sflag:s22] =	ssyncset.done $0x0  }
0xa0: {  	[sflag:s22] =	ssyncadd.s32 s4;
	_ =	sdelay $0x1  }
0xa1: {  	s23 =	simm.s32 $0x1B8B  }
0xa2: {  	_ =	swait.ge [sflag:s23], $0x1  }
0xa3: {  	[sflag:s23] =	ssyncset.done $0x0  }
0xa4: {  	s25 =	simm.s32 $0x1B8E;
	s24 =	sld [smem:$0x3FFE];
	[sflag:s23] =	ssyncadd.s32 $0xFFFFFFFF  }
0xa5: {  	s26 =	simm.s32 $execute0_lowered;
	[smem:$0x3FD2] =	sst s25  }
0xa6: {  	s5 =	sshll.u32 s26, $0x1;
	_ =	strace $0x80000046;
	[dreg:$0x1] =	wrdreg $0xFFFFFFFF  }
0xa7: {  	s28 =	simm.s32 $_size_execute0_lowered;
	s3 =	sadd.s32 s3, s5;
	[dreg:$0x0] =	wrdreg $0x0  }
0xa8: {  	s5 =	sshll.u32 s28, $0x1;
	[dreg:$0x2] =	wrdreg s3  }
0xa9: {  	[dreg:$0x3] =	wrdreg s5  }
0xaa: {  	[dreg:$0x4] =	wrdreg $0xC0  }
0xab: {  	_ =	task [dreg:s7], $0x5FFFF  }
0xac: {  	[dreg:$0x1] =	wrdreg $0xFFFFFFFF  }
0xad: {  	[dreg:$0x0] =	wrdreg $0x60  }
0xae: {  	[dreg:$0x2] =	wrdreg s24  }
0xaf: {  	[dreg:$0x3] =	wrdreg s2  }
0xb0: {  	[dreg:$0x4] =	wrdreg $0x9  }
0xb1: {  	_ =	task.clear_ibuf [dreg:s7], $0x5FFFF;
	_ =	strace $0x90000046  }
0xb2: {  	s29 =	simm.s32 $0x9;
	_ =	strace $0x80000048  }
0xb3: {  	_ =	swait.ge [sflag:s29], $0x1  }
0xb4: {  	[sflag:s29] =	ssyncadd.s32 $0xFFFFFFFF  }
0xb5: {  	_ =	strace $0x90000048  }
0xb6: {  	_ =	sfence  }
0xb7: {  	s30 =	sld [smem:$0x0];
	_ =	sdelay $0x2  }
0xb8: {  	s31 =	sshll.u32 s1, $0xD;
	s1 =	sshrl.u32 s1, $0x2  }
0xb9: {  	s3 =	sand.u32 $0x4000, s31;
	s1 =	sadd.s32 s1, s30  }
0xba: {  	s0 =	sor.u32 s3, s0;
	s1 =	sshll.u32 s1, $0x11  }
0xbb: {  	s0 =	sor.u32 s1, s0  }
0xbc: {  	s0 =	sadd.s32 $0x8F2B, s0  }
0xbd: {  	[sflag:s0] =	ssyncadd.remote.s32 $0x1  }
0xbe: {  	_ =	sfence.sel $0xFFFF  }
0xbf: {  	[dreg:$0x0] =	wrdreg $0xFFFFFFFF;
	(pc) =	sbr.abs _section_cstart, $3  }
0xc0: {  	[dreg:$0x1] =	wrdreg $0xFFFFFFFF  }
0xc1: {  	_ =	task.clear_ibuf [dreg:s7], $0x2FFFF;
	_ =	strace $0x9FFFFFFF  }
0xc2: {  	(tm) =	ssettm $0x7FFFFFFF  }
0xc3: {  	_ =	shalt  }
tec
execute0_lowered:
.L_overlay_start_1:
0x0: {  	(tag) =	ssettag $0x1  }
0x1: {  	s1 =	stileid.u32  }
0x2: {  	p0 =	sgt.u32 s1, $0x3  }
.Ltmp0:
0x3: {  	_ = 	snop;
	(pc) =	sbr.rel @p0 .LBB2_4-.Ltmp0, $4  }
0x4: {  	s11 =	rddreg [dreg:$0x0]  }
0x5: {  	s2 =	rddreg [dreg:$0x1];
	s3 =	simm.s32 $0x0  }
0x6: {  	[smem:$0x7FF] =	sst s3  }
0x7: {  	s0 =	rddreg [dreg:$0x2];
	_ =	strace $0x80000047  }
0x8: {  	s4 =	srdreg.scid  }
0x9: {  	s8 =	sand.u32 $0x1, s4  }
0xa: {  	s30 =	sshll.u32 s1, $0x2;
	s5 =	sshll.u32 s8, $0x1  }
0xb: {  	s6 =	sadd.s32 $0x80200, s11;
	s7 =	sor.u32 s5, s30  }
0xc: {  	s5 =	simm.s32 $0x3;
	s4 =	sadd.s32 s6, s7  }
0xd: {  	[tilespmem:s3], [sflag:$0x3] =	stream.linear.gather [hbm4b:s4+s3], $0x10, $0x38;
	[tilespmem:$0x180] =	vst v63  }
0xe: {  	_ =	swait.ge [sflag:s5], $0x10  }
0xf: {  	s12 =	ssub.s32 $0x2, s8;
	s31 =	sadd.s32 s7, s11;
	[sflag:s5] =	ssyncset.done $0x0  }
0x10: {  	s7 =	simm.s32 $0x80;
	s6 =	sadd.s32 $0x80400, s31;
	[sflag:s5] =	ssyncadd.s32 $0xFFFFFFF0  }
0x11: {  	[tilespmem:s7], [sflag:$0x3] =	stream.linear.gather [hbm4b:s6+s3], $0x10, $0x38;
	[tilespmem:$0x180] =	vst v63  }
0x12: {  	s9 =	simm.s32 $0x100;
	s13 =	sshrl.u32 s12, $0x1;
	_ =	swait.ge [sflag:s5], $0x10  }
0x13: {  	s10 =	simm.s32 $0x1;
	s12 =	ssub.s32 s12, s13;
	[sflag:s5] =	ssyncset.done $0x0  }
0x14: {  	s8 =	simm.s32 $0x10;
	s13 =	smax.u32 s12, $0x1;
	[sflag:s5] =	ssyncadd.s32 $0xFFFFFFF0  }
0x15: {  	[tilespmem:s9], [sflag:$0x1] =	stream.indirect.gather [hbm4b:s2+s8], $0x1, s3, s8, $0xb8;
	[tilespmem:$0x180] =	vst v63  }
0x16: {  	p0 =	sne.s32 s13, $0x1;
	_ =	swait.ge [sflag:s10], $0x10  }
.Ltmp1:
0x17: {  	[sflag:s10] =	ssyncset.done $0x0;
	(pc) =	sbr.rel @!p0 .LBB2_3-.Ltmp1, $4  }
0x18: {  	s11 =	sadd.s32 $0x200, s11;
	s12 =	simm.s32 $0x2;
	[sflag:s10] =	ssyncadd.s32 $0xFFFFFFF0  }
0x19: {  	[hbm4b:s11+s8] =	stream.indirect.scatter [tilespmem:s9], [sflag:$0x2], $0x1, s7, s8, $0xb8;
	[tilespmem:$0x180] =	vst v63  }
0x1a: {  	_ =	swait.ge [sflag:s12], $0x10  }
0x1b: {  	s13 =	sadd.s32 $0xFFFFFFFF, s13;
	[sflag:s12] =	ssyncset.done $0x0  }
.LBB2_2:
0x1c: {  	p0 =	sne.s32 s13, $0x1;
	s13 =	sadd.s32 $0xFFFFFFFF, s13;
	[sflag:s12] =	ssyncadd.s32 $0xFFFFFFF0  }
0x1d: {  	[tilespmem:s3], [sflag:$0x3] =	stream.linear.gather [hbm4b:s4+s3], $0x10, $0x38;
	[tilespmem:$0x180] =	vst v63  }
0x1e: {  	_ =	swait.ge [sflag:s5], $0x10  }
0x1f: {  	[sflag:s5] =	ssyncset.done $0x0  }
0x20: {  	[sflag:s5] =	ssyncadd.s32 $0xFFFFFFF0  }
0x21: {  	[tilespmem:s7], [sflag:$0x3] =	stream.linear.gather [hbm4b:s6+s3], $0x10, $0x38;
	[tilespmem:$0x180] =	vst v63  }
0x22: {  	_ =	swait.ge [sflag:s5], $0x10  }
0x23: {  	[sflag:s5] =	ssyncset.done $0x0  }
0x24: {  	[sflag:s5] =	ssyncadd.s32 $0xFFFFFFF0  }
0x25: {  	[tilespmem:s9], [sflag:$0x1] =	stream.indirect.gather [hbm4b:s2+s8], $0x1, s3, s8, $0xb8;
	[tilespmem:$0x180] =	vst v63  }
0x26: {  	_ =	swait.ge [sflag:s10], $0x10  }
.Ltmp2:
0x27: {  	[sflag:s10] =	ssyncset.done $0x0;
	(pc) =	sbr.rel @p0 .LBB2_2-.Ltmp2, $4  }
0x28: {  	[sflag:s10] =	ssyncadd.s32 $0xFFFFFFF0  }
0x29: {  	[hbm4b:s11+s8] =	stream.indirect.scatter [tilespmem:s9], [sflag:$0x2], $0x1, s7, s8, $0xb8;
	[tilespmem:$0x180] =	vst v63  }
0x2a: {  	_ =	swait.ge [sflag:s12], $0x10  }
0x2b: {  	[sflag:s12] =	ssyncset.done $0x0  }
.LBB2_3:
0x2c: {  	[sflag:s12] =	ssyncadd.s32 $0xFFFFFFF0  }
.LBB2_4:
0x2d: {  	_ =	sfence.sel $0x180000  }
0x2e: {  	[bflag:$0x0] =	sbarrier.arrive $0xFFFF  }
0x2f: {  	p0 =	sne.s32 s1, $0x0;
	_ =	strace $0x90000047  }
0x30: {  	s0 =	sadd.s32 @!p0 $0x100000, s0;
	[bflag:$0x2] =	sbarrier.arrive $0xFFFF  }
0x31: {  	[sflag:s0] =	ssyncadd.tile.s32 @!p0 $0x1;
	_ =	shalt  }
.Lfunc_end2:
_tile_overlayer_lowered:
.L_overlay_start_2:
0x32: {  	(tag) =	ssettag $0x2  }
0x33: {  	s0 =	rddreg [dreg:$0x0];
	s2 =	stileid.u32  }
0x34: {  	s1 =	rddreg [dreg:$0x1];
	p0 =	sne.s32 s2, $0x0  }
0x35: {  	s3 =	rddreg [dreg:$0x2];
	[bflag:$0x3] =	sbarrier.arrive $0xFFFF;
	s2 =	simm.s32 @!p0 $0x1C03  }
0x36: {  	[timem:s3], [sflag:s2] =	dma.local @!p0 [hbm:s0], s1  }
0x37: {  	s0 =	simm.s32 @!p0 $0x3  }
0x38: {  	_ =	swait.ge @!p0 [sflag:s0], s1  }
0x39: {  	s1 =	ssub.s32 @!p0 $0x0, s1;
	[sflag:s0] =	ssyncset.done @!p0 $0x0  }
0x3a: {  	[sflag:s0] =	ssyncadd.s32 @!p0 s1  }
0x3b: {  	[bflag:$0x3] =	sbarrier.arrive $0xFFFF  }
0x3c: {  	_ =	shalt  }

</sc_bundles>
